<compile_context>
chip_gen: v7x
topology: tpu7x:2x2x1
jax: 0.10.2.dev20260603
libtpu: 0.0.44.dev20260713+nightly
codegen_flags: <defaults>
</compile_context>

<pallas_src>
import functools

import jax
import jax.numpy as jnp
from jax import lax
from jax.experimental import pallas as pl
from jax.experimental.pallas import tpu as pltpu
from jax.experimental.pallas import tpu_sc as plsc

B = 16384
D = 48
DP = 128
NV = 136
NC = 2
NS = 16
L = 16
NW = NC * NS
BPW = B // NW
CHUNK = 128
NCHUNK = BPW // CHUNK

_HI = lax.Precision.HIGHEST


def _table_body(role_ref, bat_ref, bowl_ref, w1_ref, b1_ref, w2_ref, b2_ref,
                feat_ref, out_ref, comb_ref):
    x = feat_ref[...]
    rr = jnp.clip(x[0:1, :], 0, 4)
    bt = jnp.clip(x[1:2, :], 0, 2)
    bw = jnp.clip(x[2:3, :], 0, 8)
    comb_ref[...] = (rr * 27 + bt * 9 + bw).reshape(B)
    f32 = jnp.float32
    ar = jnp.dot(role_ref[...], w1_ref[0:12, :], preferred_element_type=f32,
                 precision=_HI)
    ab = jnp.dot(bat_ref[...], w1_ref[12:20, :], preferred_element_type=f32,
                 precision=_HI)
    aw = jnp.dot(bowl_ref[...], w1_ref[20:28, :], preferred_element_type=f32,
                 precision=_HI)
    c = lax.broadcasted_iota(jnp.int32, (NV, 1), 0)
    r = c // 27
    b = (c // 9) % 3
    w = c % 9
    oh_r = (lax.broadcasted_iota(jnp.int32, (NV, 5), 1) == r).astype(f32)
    oh_b = (lax.broadcasted_iota(jnp.int32, (NV, 3), 1) == b).astype(f32)
    oh_w = (lax.broadcasted_iota(jnp.int32, (NV, 9), 1) == w).astype(f32)
    h = (jnp.dot(oh_r, ar, preferred_element_type=f32, precision=_HI)
         + jnp.dot(oh_b, ab, preferred_element_type=f32, precision=_HI)
         + jnp.dot(oh_w, aw, preferred_element_type=f32, precision=_HI)
         + b1_ref[...])
    h = jnp.maximum(h, 0.0)
    res = jnp.dot(h, w2_ref[...], preferred_element_type=f32,
                  precision=_HI) + b2_ref[...]
    out_ref[...] = jnp.concatenate(
        [res, jnp.zeros((NV, DP - D), dtype=f32)], axis=1)


def _build_table(role_table, batting_table, bowling_table, W1, b1, W2, b2,
                 feat_t):
    return pl.pallas_call(
        _table_body,
        out_shape=(jax.ShapeDtypeStruct((NV, DP), jnp.float32),
                   jax.ShapeDtypeStruct((B,), jnp.int32)),
    )(role_table, batting_table, bowling_table, W1,
      b1.reshape(1, D), W2, b2.reshape(1, D), feat_t)


def _sc_body(table_hbm, comb_hbm, out_hbm, idx_v, rows_v, table_sh, sem, sem2,
             *gsems):
    wid = lax.axis_index("s") * NC + lax.axis_index("c")
    base = wid * BPW
    c1 = pltpu.async_copy(comb_hbm.at[pl.ds(base, BPW)], idx_v, sem)

    @pl.when(lax.axis_index("s") == 0)
    def _():
        pltpu.async_copy(table_hbm, table_sh, sem2).wait()

    c1.wait()
    plsc.subcore_barrier()
    copies = [
        pltpu.async_copy(table_sh.at[idx_v.at[pl.ds(j * CHUNK, CHUNK)]],
                         rows_v.at[pl.ds(j * CHUNK, CHUNK)], gsems[j])
        for j in range(NCHUNK)
    ]
    writes = []
    for j in range(NCHUNK):
        copies[j].wait()
        writes.append(
            pltpu.async_copy(rows_v.at[pl.ds(j * CHUNK, CHUNK)],
                             out_hbm.at[pl.ds(base + j * CHUNK, CHUNK)],
                             sem2))
    for w in writes:
        w.wait()


@functools.lru_cache(maxsize=1)
def _sc_gather_fn():
    mesh = plsc.VectorSubcoreMesh(core_axis_name="c", subcore_axis_name="s",
                                  num_cores=NC, num_subcores=NS)
    return pl.kernel(
        _sc_body,
        out_type=jax.ShapeDtypeStruct((B, DP), jnp.float32),
        mesh=mesh,
        scratch_types=[
            pltpu.VMEM((BPW,), jnp.int32),
            pltpu.VMEM((BPW, DP), jnp.float32),
            pltpu.VMEM_SHARED((NV, DP), jnp.float32),
            pltpu.SemaphoreType.DMA,
            pltpu.SemaphoreType.DMA,
        ] + [pltpu.SemaphoreType.DMA] * NCHUNK,
        compiler_params=pltpu.CompilerParams(use_tc_tiling_on_sc=True),
    )


_RB = 8192


def _slice_body(in_ref, out_ref):
    out_ref[...] = in_ref[:, 0:D].T


def _slice_cols(padded):
    return pl.pallas_call(
        _slice_body,
        grid=(B // _RB,),
        in_specs=[pl.BlockSpec((_RB, DP), lambda i: (i, 0))],
        out_specs=pl.BlockSpec((D, _RB), lambda i: (0, i)),
        out_shape=jax.ShapeDtypeStruct((D, B), jnp.float32),
    )(padded)


def kernel(squad_features, role_table, batting_table, bowling_table,
           W1, b1, W2, b2):
    table, comb = _build_table(role_table, batting_table, bowling_table,
                               W1, b1, W2, b2, squad_features.T)
    padded = _sc_gather_fn()(table, comb)
    return _slice_cols(padded).T

# --- scband reference (transcript-rebuilt; emitter-appended) ---
"""Pipeline reference for scband-team-squad-encoder-944892805486 (READ-ONLY COPY).

The authoritative reference and input builder live on the scoring server;
editing this copy changes nothing except your own understanding.
"""

import jax, jax.numpy as jnp
import numpy as np

def setup_inputs(seed: int = 0) -> dict:
    key = jax.random.key(seed)
    ks = jax.random.split(key, 8)
    B = 16384
    squad_dim = 48
    squad_features = jax.random.randint(ks[0], (B, 3), 0, 3, dtype=jnp.int32)
    role_table = jax.random.normal(ks[1], (5, 12), dtype=jnp.float32)
    batting_table = jax.random.normal(ks[2], (3, 8), dtype=jnp.float32)
    bowling_table = jax.random.normal(ks[3], (9, 8), dtype=jnp.float32)
    lim1 = 1.0 / np.sqrt(28.0)
    W1 = jax.random.uniform(ks[4], (28, squad_dim), dtype=jnp.float32, minval=-lim1, maxval=lim1)
    b1 = jnp.zeros((squad_dim,), dtype=jnp.float32)
    lim2 = 1.0 / np.sqrt(float(squad_dim))
    W2 = jax.random.uniform(ks[5], (squad_dim, squad_dim), dtype=jnp.float32, minval=-lim2, maxval=lim2)
    b2 = jnp.zeros((squad_dim,), dtype=jnp.float32)
    return {"squad_features": squad_features, "role_table": role_table, "batting_table": batting_table, "bowling_table": bowling_table, "W1": W1, "b1": b1, "W2": W2, "b2": b2}

def reference(squad_features, role_table, batting_table, bowling_table, W1, b1, W2, b2):
    role_ids = squad_features[:, 0]
    batting_ids = squad_features[:, 1]
    bowling_ids = squad_features[:, 2]
    role_emb = jnp.take(role_table, role_ids, axis=0)
    batting_emb = jnp.take(batting_table, batting_ids, axis=0)
    bowling_emb = jnp.take(bowling_table, bowling_ids, axis=0)
    squad_concat = jnp.concatenate([role_emb, batting_emb, bowling_emb], axis=1)
    h = jax.nn.relu(squad_concat @ W1 + b1)
    # dropout is identity in eval mode
    out = h @ W2 + b2
    return out

if __name__ == "__main__":
    import jax
    _d = setup_inputs()
    print(jax.jit(kernel)(*tuple(_d.values())))

</pallas_src>

<mosaic_0001>
#map = affine_map<(d0, d1) -> (0, 0)>
#map1 = affine_map<(d0, d1) -> (0)>
module attributes {stable_mosaic.version = 14 : i64} {
  func.func @_sc_body(%arg0: i32, %arg1: i32, %arg2: memref<136x128xf32, #tpu.memory_space<hbm>>, %arg3: memref<16384xi32, #tpu.memory_space<hbm>>, %arg4: memref<16384x128xf32, #tpu.memory_space<hbm>>, %arg5: memref<512xi32, #tpu.memory_space<vmem>>, %arg6: memref<512x128xf32, #tpu.memory_space<vmem>>, %arg7: memref<136x128xf32, #tpu.memory_space<vmem_shared>>, %arg8: memref<!tpu.dma_semaphore, #tpu.memory_space<semaphore_mem>>, %arg9: memref<!tpu.dma_semaphore, #tpu.memory_space<semaphore_mem>>, %arg10: memref<!tpu.dma_semaphore, #tpu.memory_space<semaphore_mem>>, %arg11: memref<!tpu.dma_semaphore, #tpu.memory_space<semaphore_mem>>, %arg12: memref<!tpu.dma_semaphore, #tpu.memory_space<semaphore_mem>>, %arg13: memref<!tpu.dma_semaphore, #tpu.memory_space<semaphore_mem>>) attributes {dimension_semantics = [#tpu.dimension_semantics<core_parallel>, #tpu.dimension_semantics<subcore_parallel>], iteration_bounds = array<i64: 2, 16>, scalar_prefetch = 0 : i64, scratch_operands = 9 : i64, tpu.core_type = #tpu.core_type<sc_vector_subcore>, window_params = [{transform_indices = #map}, {transform_indices = #map1}, {transform_indices = #map}]} {
    %mul3A = arith.constant 2 : i32
    %mul3A_0 = arith.muli %arg1, %mul3A : i32
    %add3A = arith.addi %mul3A_0, %arg0 : i32
    %mul3A_1 = arith.constant 512 : i32
    %mul3A_2 = arith.muli %add3A, %mul3A_1 : i32
    %dma_start3A = tpu.memref_slice %arg3[%mul3A_2] : memref<16384xi32, #tpu.memory_space<hbm>> -> memref<512xi32, #tpu.memory_space<hbm>>
    %dma_start3A_3 = tpu.memref_slice %arg3[%mul3A_2] : memref<16384xi32, #tpu.memory_space<hbm>> -> memref<512xi32, #tpu.memory_space<hbm>>
    tpu.enqueue_dma source(%dma_start3A_3 : memref<512xi32, #tpu.memory_space<hbm>>) target(%arg5 : memref<512xi32, #tpu.memory_space<vmem>>) target_semaphore(%arg8 : memref<!tpu.dma_semaphore, #tpu.memory_space<semaphore_mem>>)
    %eq3A = arith.constant 0 : i32
    %eq3A_4 = arith.cmpi eq, %arg1, %eq3A : i32
    %convert_element_type3A = arith.extui %eq3A_4 : i1 to i32
    %cond3A = arith.constant 0 : i32
    %cond3A_5 = arith.cmpi ne, %convert_element_type3A, %cond3A : i32
    scf.if %cond3A_5 {
      tpu.enqueue_dma source(%arg2 : memref<136x128xf32, #tpu.memory_space<hbm>>) target(%arg7 : memref<136x128xf32, #tpu.memory_space<vmem_shared>>) target_semaphore(%arg9 : memref<!tpu.dma_semaphore, #tpu.memory_space<semaphore_mem>>)
      tpu.wait_dma2 semaphore(%arg9 : memref<!tpu.dma_semaphore, #tpu.memory_space<semaphore_mem>>) src(%arg2 : memref<136x128xf32, #tpu.memory_space<hbm>>) dst(%arg7 : memref<136x128xf32, #tpu.memory_space<vmem_shared>>)
    } else {
    }
    %dma_wait3A = tpu.memref_slice %arg3[%mul3A_2] : memref<16384xi32, #tpu.memory_space<hbm>> -> memref<512xi32, #tpu.memory_space<hbm>>
    %dma_wait3A_6 = tpu.memref_slice %arg3[%mul3A_2] : memref<16384xi32, #tpu.memory_space<hbm>> -> memref<512xi32, #tpu.memory_space<hbm>>
    tpu.wait_dma2 semaphore(%arg8 : memref<!tpu.dma_semaphore, #tpu.memory_space<semaphore_mem>>) src(%dma_wait3A_6 : memref<512xi32, #tpu.memory_space<hbm>>) dst(%arg5 : memref<512xi32, #tpu.memory_space<vmem>>)
    %barrier3A = arith.constant 0 : index
    tpu.barrier barrier_id(%barrier3A)
    %dma_start3A_7 = arith.constant 0 : i32
    %dma_start3A_8 = arith.constant 0 : i32
    %dma_start3A_9 = tpu.memref_slice %arg6[%dma_start3A_7, %dma_start3A_8] : memref<512x128xf32, #tpu.memory_space<vmem>> -> memref<128x128xf32, #tpu.memory_space<vmem>>
    %dma_start3A_10 = arith.constant 0 : i32
    %dma_start3A_11 = tpu.memref_slice %arg5[%dma_start3A_10] : memref<512xi32, #tpu.memory_space<vmem>> -> memref<128xi32, #tpu.memory_space<vmem>>
    %dma_start3A_12 = arith.constant 0 : i32
    %dma_start3A_13 = arith.constant 0 : i32
    %dma_start3A_14 = tpu.memref_slice %arg7[%dma_start3A_12, %dma_start3A_13] : memref<136x128xf32, #tpu.memory_space<vmem_shared>> -> memref<136x128xf32, #tpu.memory_space<vmem_shared>>
    tpu.enqueue_indirect_dma source(%dma_start3A_14 : memref<136x128xf32, #tpu.memory_space<vmem_shared>>) target(%dma_start3A_9 : memref<128x128xf32, #tpu.memory_space<vmem>>) offsets(%dma_start3A_11 : memref<128xi32, #tpu.memory_space<vmem>>) semaphore(%arg10 : memref<!tpu.dma_semaphore, #tpu.memory_space<semaphore_mem>>)
    %dma_start3A_15 = arith.constant 128 : i32
    %dma_start3A_16 = arith.constant 0 : i32
    %dma_start3A_17 = tpu.memref_slice %arg6[%dma_start3A_15, %dma_start3A_16] : memref<512x128xf32, #tpu.memory_space<vmem>> -> memref<128x128xf32, #tpu.memory_space<vmem>>
    %dma_start3A_18 = arith.constant 128 : i32
    %dma_start3A_19 = tpu.memref_slice %arg5[%dma_start3A_18] : memref<512xi32, #tpu.memory_space<vmem>> -> memref<128xi32, #tpu.memory_space<vmem>>
    %dma_start3A_20 = arith.constant 0 : i32
    %dma_start3A_21 = arith.constant 0 : i32
    %dma_start3A_22 = tpu.memref_slice %arg7[%dma_start3A_20, %dma_start3A_21] : memref<136x128xf32, #tpu.memory_space<vmem_shared>> -> memref<136x128xf32, #tpu.memory_space<vmem_shared>>
    tpu.enqueue_indirect_dma source(%dma_start3A_22 : memref<136x128xf32, #tpu.memory_space<vmem_shared>>) target(%dma_start3A_17 : memref<128x128xf32, #tpu.memory_space<vmem>>) offsets(%dma_start3A_19 : memref<128xi32, #tpu.memory_space<vmem>>) semaphore(%arg11 : memref<!tpu.dma_semaphore, #tpu.memory_space<semaphore_mem>>)
    %dma_start3A_23 = arith.constant 256 : i32
    %dma_start3A_24 = arith.constant 0 : i32
    %dma_start3A_25 = tpu.memref_slice %arg6[%dma_start3A_23, %dma_start3A_24] : memref<512x128xf32, #tpu.memory_space<vmem>> -> memref<128x128xf32, #tpu.memory_space<vmem>>
    %dma_start3A_26 = arith.constant 256 : i32
    %dma_start3A_27 = tpu.memref_slice %arg5[%dma_start3A_26] : memref<512xi32, #tpu.memory_space<vmem>> -> memref<128xi32, #tpu.memory_space<vmem>>
    %dma_start3A_28 = arith.constant 0 : i32
    %dma_start3A_29 = arith.constant 0 : i32
    %dma_start3A_30 = tpu.memref_slice %arg7[%dma_start3A_28, %dma_start3A_29] : memref<136x128xf32, #tpu.memory_space<vmem_shared>> -> memref<136x128xf32, #tpu.memory_space<vmem_shared>>
    tpu.enqueue_indirect_dma source(%dma_start3A_30 : memref<136x128xf32, #tpu.memory_space<vmem_shared>>) target(%dma_start3A_25 : memref<128x128xf32, #tpu.memory_space<vmem>>) offsets(%dma_start3A_27 : memref<128xi32, #tpu.memory_space<vmem>>) semaphore(%arg12 : memref<!tpu.dma_semaphore, #tpu.memory_space<semaphore_mem>>)
    %dma_start3A_31 = arith.constant 384 : i32
    %dma_start3A_32 = arith.constant 0 : i32
    %dma_start3A_33 = tpu.memref_slice %arg6[%dma_start3A_31, %dma_start3A_32] : memref<512x128xf32, #tpu.memory_space<vmem>> -> memref<128x128xf32, #tpu.memory_space<vmem>>
    %dma_start3A_34 = arith.constant 384 : i32
    %dma_start3A_35 = tpu.memref_slice %arg5[%dma_start3A_34] : memref<512xi32, #tpu.memory_space<vmem>> -> memref<128xi32, #tpu.memory_space<vmem>>
    %dma_start3A_36 = arith.constant 0 : i32
    %dma_start3A_37 = arith.constant 0 : i32
    %dma_start3A_38 = tpu.memref_slice %arg7[%dma_start3A_36, %dma_start3A_37] : memref<136x128xf32, #tpu.memory_space<vmem_shared>> -> memref<136x128xf32, #tpu.memory_space<vmem_shared>>
    tpu.enqueue_indirect_dma source(%dma_start3A_38 : memref<136x128xf32, #tpu.memory_space<vmem_shared>>) target(%dma_start3A_33 : memref<128x128xf32, #tpu.memory_space<vmem>>) offsets(%dma_start3A_35 : memref<128xi32, #tpu.memory_space<vmem>>) semaphore(%arg13 : memref<!tpu.dma_semaphore, #tpu.memory_space<semaphore_mem>>)
    %dma_wait3A_39 = arith.constant 0 : i32
    %dma_wait3A_40 = arith.constant 0 : i32
    %dma_wait3A_41 = tpu.memref_slice %arg6[%dma_wait3A_39, %dma_wait3A_40] : memref<512x128xf32, #tpu.memory_space<vmem>> -> memref<128x128xf32, #tpu.memory_space<vmem>>
    %dma_wait3A_42 = arith.constant 0 : i32
    %dma_wait3A_43 = tpu.memref_slice %arg5[%dma_wait3A_42] : memref<512xi32, #tpu.memory_space<vmem>> -> memref<128xi32, #tpu.memory_space<vmem>>
    %dma_wait3A_44 = arith.constant 0 : i32
    %dma_wait3A_45 = arith.constant 0 : i32
    %dma_wait3A_46 = tpu.memref_slice %arg7[%dma_wait3A_44, %dma_wait3A_45] : memref<136x128xf32, #tpu.memory_space<vmem_shared>> -> memref<136x128xf32, #tpu.memory_space<vmem_shared>>
    tpu.wait_indirect_dma semaphore(%arg10 : memref<!tpu.dma_semaphore, #tpu.memory_space<semaphore_mem>>) src(%dma_wait3A_46 : memref<136x128xf32, #tpu.memory_space<vmem_shared>>) dst(%dma_wait3A_41 : memref<128x128xf32, #tpu.memory_space<vmem>>)
    %add3A_47 = arith.constant 0 : i32
    %add3A_48 = arith.addi %mul3A_2, %add3A_47 : i32
    %dma_start3A_49 = arith.constant 0 : i32
    %dma_start3A_50 = arith.constant 0 : i32
    %dma_start3A_51 = tpu.memref_slice %arg6[%dma_start3A_49, %dma_start3A_50] : memref<512x128xf32, #tpu.memory_space<vmem>> -> memref<128x128xf32, #tpu.memory_space<vmem>>
    %dma_start3A_52 = arith.constant 0 : i32
    %dma_start3A_53 = tpu.memref_slice %arg4[%add3A_48, %dma_start3A_52] : memref<16384x128xf32, #tpu.memory_space<hbm>> -> memref<128x128xf32, #tpu.memory_space<hbm>>
    %dma_start3A_54 = arith.constant 0 : i32
    %dma_start3A_55 = tpu.memref_slice %arg4[%add3A_48, %dma_start3A_54] : memref<16384x128xf32, #tpu.memory_space<hbm>> -> memref<128x128xf32, #tpu.memory_space<hbm>>
    %dma_start3A_56 = arith.constant 0 : i32
    %dma_start3A_57 = arith.constant 0 : i32
    %dma_start3A_58 = tpu.memref_slice %arg6[%dma_start3A_56, %dma_start3A_57] : memref<512x128xf32, #tpu.memory_space<vmem>> -> memref<128x128xf32, #tpu.memory_space<vmem>>
    tpu.enqueue_dma source(%dma_start3A_58 : memref<128x128xf32, #tpu.memory_space<vmem>>) target(%dma_start3A_55 : memref<128x128xf32, #tpu.memory_space<hbm>>) target_semaphore(%arg9 : memref<!tpu.dma_semaphore, #tpu.memory_space<semaphore_mem>>)
    %dma_wait3A_59 = arith.constant 128 : i32
    %dma_wait3A_60 = arith.constant 0 : i32
    %dma_wait3A_61 = tpu.memref_slice %arg6[%dma_wait3A_59, %dma_wait3A_60] : memref<512x128xf32, #tpu.memory_space<vmem>> -> memref<128x128xf32, #tpu.memory_space<vmem>>
    %dma_wait3A_62 = arith.constant 128 : i32
    %dma_wait3A_63 = tpu.memref_slice %arg5[%dma_wait3A_62] : memref<512xi32, #tpu.memory_space<vmem>> -> memref<128xi32, #tpu.memory_space<vmem>>
    %dma_wait3A_64 = arith.constant 0 : i32
    %dma_wait3A_65 = arith.constant 0 : i32
    %dma_wait3A_66 = tpu.memref_slice %arg7[%dma_wait3A_64, %dma_wait3A_65] : memref<136x128xf32, #tpu.memory_space<vmem_shared>> -> memref<136x128xf32, #tpu.memory_space<vmem_shared>>
    tpu.wait_indirect_dma semaphore(%arg11 : memref<!tpu.dma_semaphore, #tpu.memory_space<semaphore_mem>>) src(%dma_wait3A_66 : memref<136x128xf32, #tpu.memory_space<vmem_shared>>) dst(%dma_wait3A_61 : memref<128x128xf32, #tpu.memory_space<vmem>>)
    %add3A_67 = arith.constant 128 : i32
    %add3A_68 = arith.addi %mul3A_2, %add3A_67 : i32
    %dma_start3A_69 = arith.constant 128 : i32
    %dma_start3A_70 = arith.constant 0 : i32
    %dma_start3A_71 = tpu.memref_slice %arg6[%dma_start3A_69, %dma_start3A_70] : memref<512x128xf32, #tpu.memory_space<vmem>> -> memref<128x128xf32, #tpu.memory_space<vmem>>
    %dma_start3A_72 = arith.constant 0 : i32
    %dma_start3A_73 = tpu.memref_slice %arg4[%add3A_68, %dma_start3A_72] : memref<16384x128xf32, #tpu.memory_space<hbm>> -> memref<128x128xf32, #tpu.memory_space<hbm>>
    %dma_start3A_74 = arith.constant 0 : i32
    %dma_start3A_75 = tpu.memref_slice %arg4[%add3A_68, %dma_start3A_74] : memref<16384x128xf32, #tpu.memory_space<hbm>> -> memref<128x128xf32, #tpu.memory_space<hbm>>
    %dma_start3A_76 = arith.constant 128 : i32
    %dma_start3A_77 = arith.constant 0 : i32
    %dma_start3A_78 = tpu.memref_slice %arg6[%dma_start3A_76, %dma_start3A_77] : memref<512x128xf32, #tpu.memory_space<vmem>> -> memref<128x128xf32, #tpu.memory_space<vmem>>
    tpu.enqueue_dma source(%dma_start3A_78 : memref<128x128xf32, #tpu.memory_space<vmem>>) target(%dma_start3A_75 : memref<128x128xf32, #tpu.memory_space<hbm>>) target_semaphore(%arg9 : memref<!tpu.dma_semaphore, #tpu.memory_space<semaphore_mem>>)
    %dma_wait3A_79 = arith.constant 256 : i32
    %dma_wait3A_80 = arith.constant 0 : i32
    %dma_wait3A_81 = tpu.memref_slice %arg6[%dma_wait3A_79, %dma_wait3A_80] : memref<512x128xf32, #tpu.memory_space<vmem>> -> memref<128x128xf32, #tpu.memory_space<vmem>>
    %dma_wait3A_82 = arith.constant 256 : i32
    %dma_wait3A_83 = tpu.memref_slice %arg5[%dma_wait3A_82] : memref<512xi32, #tpu.memory_space<vmem>> -> memref<128xi32, #tpu.memory_space<vmem>>
    %dma_wait3A_84 = arith.constant 0 : i32
    %dma_wait3A_85 = arith.constant 0 : i32
    %dma_wait3A_86 = tpu.memref_slice %arg7[%dma_wait3A_84, %dma_wait3A_85] : memref<136x128xf32, #tpu.memory_space<vmem_shared>> -> memref<136x128xf32, #tpu.memory_space<vmem_shared>>
    tpu.wait_indirect_dma semaphore(%arg12 : memref<!tpu.dma_semaphore, #tpu.memory_space<semaphore_mem>>) src(%dma_wait3A_86 : memref<136x128xf32, #tpu.memory_space<vmem_shared>>) dst(%dma_wait3A_81 : memref<128x128xf32, #tpu.memory_space<vmem>>)
    %add3A_87 = arith.constant 256 : i32
    %add3A_88 = arith.addi %mul3A_2, %add3A_87 : i32
    %dma_start3A_89 = arith.constant 256 : i32
    %dma_start3A_90 = arith.constant 0 : i32
    %dma_start3A_91 = tpu.memref_slice %arg6[%dma_start3A_89, %dma_start3A_90] : memref<512x128xf32, #tpu.memory_space<vmem>> -> memref<128x128xf32, #tpu.memory_space<vmem>>
    %dma_start3A_92 = arith.constant 0 : i32
    %dma_start3A_93 = tpu.memref_slice %arg4[%add3A_88, %dma_start3A_92] : memref<16384x128xf32, #tpu.memory_space<hbm>> -> memref<128x128xf32, #tpu.memory_space<hbm>>
    %dma_start3A_94 = arith.constant 0 : i32
    %dma_start3A_95 = tpu.memref_slice %arg4[%add3A_88, %dma_start3A_94] : memref<16384x128xf32, #tpu.memory_space<hbm>> -> memref<128x128xf32, #tpu.memory_space<hbm>>
    %dma_start3A_96 = arith.constant 256 : i32
    %dma_start3A_97 = arith.constant 0 : i32
    %dma_start3A_98 = tpu.memref_slice %arg6[%dma_start3A_96, %dma_start3A_97] : memref<512x128xf32, #tpu.memory_space<vmem>> -> memref<128x128xf32, #tpu.memory_space<vmem>>
    tpu.enqueue_dma source(%dma_start3A_98 : memref<128x128xf32, #tpu.memory_space<vmem>>) target(%dma_start3A_95 : memref<128x128xf32, #tpu.memory_space<hbm>>) target_semaphore(%arg9 : memref<!tpu.dma_semaphore, #tpu.memory_space<semaphore_mem>>)
    %dma_wait3A_99 = arith.constant 384 : i32
    %dma_wait3A_100 = arith.constant 0 : i32
    %dma_wait3A_101 = tpu.memref_slice %arg6[%dma_wait3A_99, %dma_wait3A_100] : memref<512x128xf32, #tpu.memory_space<vmem>> -> memref<128x128xf32, #tpu.memory_space<vmem>>
    %dma_wait3A_102 = arith.constant 384 : i32
    %dma_wait3A_103 = tpu.memref_slice %arg5[%dma_wait3A_102] : memref<512xi32, #tpu.memory_space<vmem>> -> memref<128xi32, #tpu.memory_space<vmem>>
    %dma_wait3A_104 = arith.constant 0 : i32
    %dma_wait3A_105 = arith.constant 0 : i32
    %dma_wait3A_106 = tpu.memref_slice %arg7[%dma_wait3A_104, %dma_wait3A_105] : memref<136x128xf32, #tpu.memory_space<vmem_shared>> -> memref<136x128xf32, #tpu.memory_space<vmem_shared>>
    tpu.wait_indirect_dma semaphore(%arg13 : memref<!tpu.dma_semaphore, #tpu.memory_space<semaphore_mem>>) src(%dma_wait3A_106 : memref<136x128xf32, #tpu.memory_space<vmem_shared>>) dst(%dma_wait3A_101 : memref<128x128xf32, #tpu.memory_space<vmem>>)
    %add3A_107 = arith.constant 384 : i32
    %add3A_108 = arith.addi %mul3A_2, %add3A_107 : i32
    %dma_start3A_109 = arith.constant 384 : i32
    %dma_start3A_110 = arith.constant 0 : i32
    %dma_start3A_111 = tpu.memref_slice %arg6[%dma_start3A_109, %dma_start3A_110] : memref<512x128xf32, #tpu.memory_space<vmem>> -> memref<128x128xf32, #tpu.memory_space<vmem>>
    %dma_start3A_112 = arith.constant 0 : i32
    %dma_start3A_113 = tpu.memref_slice %arg4[%add3A_108, %dma_start3A_112] : memref<16384x128xf32, #tpu.memory_space<hbm>> -> memref<128x128xf32, #tpu.memory_space<hbm>>
    %dma_start3A_114 = arith.constant 0 : i32
    %dma_start3A_115 = tpu.memref_slice %arg4[%add3A_108, %dma_start3A_114] : memref<16384x128xf32, #tpu.memory_space<hbm>> -> memref<128x128xf32, #tpu.memory_space<hbm>>
    %dma_start3A_116 = arith.constant 384 : i32
    %dma_start3A_117 = arith.constant 0 : i32
    %dma_start3A_118 = tpu.memref_slice %arg6[%dma_start3A_116, %dma_start3A_117] : memref<512x128xf32, #tpu.memory_space<vmem>> -> memref<128x128xf32, #tpu.memory_space<vmem>>
    tpu.enqueue_dma source(%dma_start3A_118 : memref<128x128xf32, #tpu.memory_space<vmem>>) target(%dma_start3A_115 : memref<128x128xf32, #tpu.memory_space<hbm>>) target_semaphore(%arg9 : memref<!tpu.dma_semaphore, #tpu.memory_space<semaphore_mem>>)
    %dma_wait3A_119 = arith.constant 0 : i32
    %dma_wait3A_120 = arith.constant 0 : i32
    %dma_wait3A_121 = tpu.memref_slice %arg6[%dma_wait3A_119, %dma_wait3A_120] : memref<512x128xf32, #tpu.memory_space<vmem>> -> memref<128x128xf32, #tpu.memory_space<vmem>>
    %dma_wait3A_122 = arith.constant 0 : i32
    %dma_wait3A_123 = tpu.memref_slice %arg4[%add3A_48, %dma_wait3A_122] : memref<16384x128xf32, #tpu.memory_space<hbm>> -> memref<128x128xf32, #tpu.memory_space<hbm>>
    %dma_wait3A_124 = arith.constant 0 : i32
    %dma_wait3A_125 = tpu.memref_slice %arg4[%add3A_48, %dma_wait3A_124] : memref<16384x128xf32, #tpu.memory_space<hbm>> -> memref<128x128xf32, #tpu.memory_space<hbm>>
    %dma_wait3A_126 = arith.constant 0 : i32
    %dma_wait3A_127 = arith.constant 0 : i32
    %dma_wait3A_128 = tpu.memref_slice %arg6[%dma_wait3A_126, %dma_wait3A_127] : memref<512x128xf32, #tpu.memory_space<vmem>> -> memref<128x128xf32, #tpu.memory_space<vmem>>
    tpu.wait_dma2 semaphore(%arg9 : memref<!tpu.dma_semaphore, #tpu.memory_space<semaphore_mem>>) src(%dma_wait3A_128 : memref<128x128xf32, #tpu.memory_space<vmem>>) dst(%dma_wait3A_125 : memref<128x128xf32, #tpu.memory_space<hbm>>)
    %dma_wait3A_129 = arith.constant 128 : i32
    %dma_wait3A_130 = arith.constant 0 : i32
    %dma_wait3A_131 = tpu.memref_slice %arg6[%dma_wait3A_129, %dma_wait3A_130] : memref<512x128xf32, #tpu.memory_space<vmem>> -> memref<128x128xf32, #tpu.memory_space<vmem>>
    %dma_wait3A_132 = arith.constant 0 : i32
    %dma_wait3A_133 = tpu.memref_slice %arg4[%add3A_68, %dma_wait3A_132] : memref<16384x128xf32, #tpu.memory_space<hbm>> -> memref<128x128xf32, #tpu.memory_space<hbm>>
    %dma_wait3A_134 = arith.constant 0 : i32
    %dma_wait3A_135 = tpu.memref_slice %arg4[%add3A_68, %dma_wait3A_134] : memref<16384x128xf32, #tpu.memory_space<hbm>> -> memref<128x128xf32, #tpu.memory_space<hbm>>
    %dma_wait3A_136 = arith.constant 128 : i32
    %dma_wait3A_137 = arith.constant 0 : i32
    %dma_wait3A_138 = tpu.memref_slice %arg6[%dma_wait3A_136, %dma_wait3A_137] : memref<512x128xf32, #tpu.memory_space<vmem>> -> memref<128x128xf32, #tpu.memory_space<vmem>>
    tpu.wait_dma2 semaphore(%arg9 : memref<!tpu.dma_semaphore, #tpu.memory_space<semaphore_mem>>) src(%dma_wait3A_138 : memref<128x128xf32, #tpu.memory_space<vmem>>) dst(%dma_wait3A_135 : memref<128x128xf32, #tpu.memory_space<hbm>>)
    %dma_wait3A_139 = arith.constant 256 : i32
    %dma_wait3A_140 = arith.constant 0 : i32
    %dma_wait3A_141 = tpu.memref_slice %arg6[%dma_wait3A_139, %dma_wait3A_140] : memref<512x128xf32, #tpu.memory_space<vmem>> -> memref<128x128xf32, #tpu.memory_space<vmem>>
    %dma_wait3A_142 = arith.constant 0 : i32
    %dma_wait3A_143 = tpu.memref_slice %arg4[%add3A_88, %dma_wait3A_142] : memref<16384x128xf32, #tpu.memory_space<hbm>> -> memref<128x128xf32, #tpu.memory_space<hbm>>
    %dma_wait3A_144 = arith.constant 0 : i32
    %dma_wait3A_145 = tpu.memref_slice %arg4[%add3A_88, %dma_wait3A_144] : memref<16384x128xf32, #tpu.memory_space<hbm>> -> memref<128x128xf32, #tpu.memory_space<hbm>>
    %dma_wait3A_146 = arith.constant 256 : i32
    %dma_wait3A_147 = arith.constant 0 : i32
    %dma_wait3A_148 = tpu.memref_slice %arg6[%dma_wait3A_146, %dma_wait3A_147] : memref<512x128xf32, #tpu.memory_space<vmem>> -> memref<128x128xf32, #tpu.memory_space<vmem>>
    tpu.wait_dma2 semaphore(%arg9 : memref<!tpu.dma_semaphore, #tpu.memory_space<semaphore_mem>>) src(%dma_wait3A_148 : memref<128x128xf32, #tpu.memory_space<vmem>>) dst(%dma_wait3A_145 : memref<128x128xf32, #tpu.memory_space<hbm>>)
    %dma_wait3A_149 = arith.constant 384 : i32
    %dma_wait3A_150 = arith.constant 0 : i32
    %dma_wait3A_151 = tpu.memref_slice %arg6[%dma_wait3A_149, %dma_wait3A_150] : memref<512x128xf32, #tpu.memory_space<vmem>> -> memref<128x128xf32, #tpu.memory_space<vmem>>
    %dma_wait3A_152 = arith.constant 0 : i32
    %dma_wait3A_153 = tpu.memref_slice %arg4[%add3A_108, %dma_wait3A_152] : memref<16384x128xf32, #tpu.memory_space<hbm>> -> memref<128x128xf32, #tpu.memory_space<hbm>>
    %dma_wait3A_154 = arith.constant 0 : i32
    %dma_wait3A_155 = tpu.memref_slice %arg4[%add3A_108, %dma_wait3A_154] : memref<16384x128xf32, #tpu.memory_space<hbm>> -> memref<128x128xf32, #tpu.memory_space<hbm>>
    %dma_wait3A_156 = arith.constant 384 : i32
    %dma_wait3A_157 = arith.constant 0 : i32
    %dma_wait3A_158 = tpu.memref_slice %arg6[%dma_wait3A_156, %dma_wait3A_157] : memref<512x128xf32, #tpu.memory_space<vmem>> -> memref<128x128xf32, #tpu.memory_space<vmem>>
    tpu.wait_dma2 semaphore(%arg9 : memref<!tpu.dma_semaphore, #tpu.memory_space<semaphore_mem>>) src(%dma_wait3A_158 : memref<128x128xf32, #tpu.memory_space<vmem>>) dst(%dma_wait3A_155 : memref<128x128xf32, #tpu.memory_space<hbm>>)
    return
  }
}

module attributes {stable_mosaic.version = 14 : i64} {
  func.func @_slice_body(%arg0: i32, %arg1: memref<8192x128xf32, #tpu.memory_space<vmem>>, %arg2: memref<48x8192xf32, #tpu.memory_space<vmem>>) attributes {dimension_semantics = [#tpu.dimension_semantics<arbitrary>], iteration_bounds = array<i64: 2>, scalar_prefetch = 0 : i64, scratch_operands = 0 : i64, tpu.core_type = #tpu.core_type<tc>, window_params = [{transform_indices = @transform_0, window_bounds = array<i64: 8192, 128>}, {transform_indices = @transform_1, window_bounds = array<i64: 48, 8192>}]} {
    %get3A = arith.constant 0 : index
    %get3A_0 = arith.constant 0 : index
    %get3A_1 = vector.load %arg1[%get3A, %get3A_0] : memref<8192x128xf32, #tpu.memory_space<vmem>>, vector<8192x48xf32>
    %transpose3A = tpu.transpose %get3A_1, [1, 0] : vector<8192x48xf32> -> vector<48x8192xf32>
    %swap3A = arith.constant 0 : index
    %swap3A_2 = arith.constant 0 : index
    %swap3A_3 = vector.load %arg2[%swap3A, %swap3A_2] : memref<48x8192xf32, #tpu.memory_space<vmem>>, vector<48x8192xf32>
    tpu.vector_store %arg2[%swap3A, %swap3A_2], %transpose3A {strides = array<i32>} : memref<48x8192xf32, #tpu.memory_space<vmem>>, vector<48x8192xf32>,
    return
  }
  func.func @transform_0(%arg0: i32) -> (i32, i32) {
    %c0_i32 = arith.constant 0 : i32
    %c0_i32_0 = arith.constant 0 : i32
    return %arg0, %c0_i32 : i32, i32
  }
  func.func @transform_1(%arg0: i32) -> (i32, i32) {
    %c0_i32 = arith.constant 0 : i32
    %c0_i32_0 = arith.constant 0 : i32
    return %c0_i32, %arg0 : i32, i32
  }
}

module attributes {stable_mosaic.version = 14 : i64} {
  func.func @_table_body(%arg0: memref<5x12xf32, #tpu.memory_space<vmem>>, %arg1: memref<3x8xf32, #tpu.memory_space<vmem>>, %arg2: memref<9x8xf32, #tpu.memory_space<vmem>>, %arg3: memref<28x48xf32, #tpu.memory_space<vmem>>, %arg4: memref<1x48xf32, #tpu.memory_space<vmem>>, %arg5: memref<48x48xf32, #tpu.memory_space<vmem>>, %arg6: memref<1x48xf32, #tpu.memory_space<vmem>>, %arg7: memref<3x16384xi32, #tpu.memory_space<vmem>>, %arg8: memref<136x128xf32, #tpu.memory_space<vmem>>, %arg9: memref<16384xi32, #tpu.memory_space<vmem>>) attributes {dimension_semantics = [], scalar_prefetch = 0 : i64, scratch_operands = 0 : i64, tpu.core_type = #tpu.core_type<tc>} {
    %get3A = arith.constant 0 : index
    %get3A_0 = arith.constant 0 : index
    %get3A_1 = vector.load %arg7[%get3A, %get3A_0] : memref<3x16384xi32, #tpu.memory_space<vmem>>, vector<3x16384xi32>
    %slice3A = vector.extract_strided_slice %get3A_1 {offsets = [0, 0], sizes = [1, 16384], strides = [1, 1]} : vector<3x16384xi32> to vector<1x16384xi32>
    %jit3A = arith.constant 0 : i32
    %jit3A_2 = arith.constant 4 : i32
    %max3A = vector.broadcast %jit3A : i32 to vector<1x16384xi32>
    %max3A_3 = arith.maxsi %max3A, %slice3A : vector<1x16384xi32>
    %min3A = vector.broadcast %jit3A_2 : i32 to vector<1x16384xi32>
    %min3A_4 = arith.minsi %min3A, %max3A_3 : vector<1x16384xi32>
    %slice3A_5 = vector.extract_strided_slice %get3A_1 {offsets = [1, 0], sizes = [1, 16384], strides = [1, 1]} : vector<3x16384xi32> to vector<1x16384xi32>
    %jit3A_6 = arith.constant 0 : i32
    %jit3A_7 = arith.constant 2 : i32
    %max3A_8 = vector.broadcast %jit3A_6 : i32 to vector<1x16384xi32>
    %max3A_9 = arith.maxsi %max3A_8, %slice3A_5 : vector<1x16384xi32>
    %min3A_10 = vector.broadcast %jit3A_7 : i32 to vector<1x16384xi32>
    %min3A_11 = arith.minsi %min3A_10, %max3A_9 : vector<1x16384xi32>
    %slice3A_12 = vector.extract_strided_slice %get3A_1 {offsets = [2, 0], sizes = [1, 16384], strides = [1, 1]} : vector<3x16384xi32> to vector<1x16384xi32>
    %jit3A_13 = arith.constant 0 : i32
    %jit3A_14 = arith.constant 8 : i32
    %max3A_15 = vector.broadcast %jit3A_13 : i32 to vector<1x16384xi32>
    %max3A_16 = arith.maxsi %max3A_15, %slice3A_12 : vector<1x16384xi32>
    %min3A_17 = vector.broadcast %jit3A_14 : i32 to vector<1x16384xi32>
    %min3A_18 = arith.minsi %min3A_17, %max3A_16 : vector<1x16384xi32>
    %mul3A = arith.constant 27 : i32
    %mul3A_19 = vector.broadcast %mul3A : i32 to vector<1x16384xi32>
    %mul3A_20 = arith.muli %min3A_4, %mul3A_19 : vector<1x16384xi32>
    %mul3A_21 = arith.constant 9 : i32
    %mul3A_22 = vector.broadcast %mul3A_21 : i32 to vector<1x16384xi32>
    %mul3A_23 = arith.muli %min3A_11, %mul3A_22 : vector<1x16384xi32>
    %add3A = arith.addi %mul3A_20, %mul3A_23 : vector<1x16384xi32>
    %add3A_24 = arith.addi %add3A, %min3A_18 : vector<1x16384xi32>
    %reshape3A = vector.shape_cast %add3A_24 : vector<1x16384xi32> to vector<16384xi32>
    %swap3A = arith.constant 0 : index
    %swap3A_25 = vector.load %arg9[%swap3A] : memref<16384xi32, #tpu.memory_space<vmem>>, vector<16384xi32>
    tpu.vector_store %arg9[%swap3A], %reshape3A {strides = array<i32>} : memref<16384xi32, #tpu.memory_space<vmem>>, vector<16384xi32>,
    %get3A_26 = arith.constant 0 : index
    %get3A_27 = arith.constant 0 : index
    %get3A_28 = vector.load %arg0[%get3A_26, %get3A_27] : memref<5x12xf32, #tpu.memory_space<vmem>>, vector<5x12xf32>
    %get3A_29 = arith.constant 0 : index
    %get3A_30 = arith.constant 0 : index
    %get3A_31 = vector.load %arg3[%get3A_29, %get3A_30] : memref<28x48xf32, #tpu.memory_space<vmem>>, vector<12x48xf32>
    %dot_general3A = arith.constant dense<0.000000e+00> : vector<5x48xf32>
    %dot_general3A_32 = tpu.matmul %get3A_28, %get3A_31, %dot_general3A {dimension_numbers = #tpu.dot_dimension_numbers<[1], [0], [0], [1], [0, 0, 1, 1], [], []>, precision = #tpu.contract_precision<fp32>, transpose_lhs_hint = false} : vector<5x12xf32>, vector<12x48xf32>, vector<5x48xf32> -> vector<5x48xf32>
    %get3A_33 = arith.constant 0 : index
    %get3A_34 = arith.constant 0 : index
    %get3A_35 = vector.load %arg1[%get3A_33, %get3A_34] : memref<3x8xf32, #tpu.memory_space<vmem>>, vector<3x8xf32>
    %get3A_36 = arith.constant 12 : index
    %get3A_37 = arith.constant 0 : index
    %get3A_38 = vector.load %arg3[%get3A_36, %get3A_37] : memref<28x48xf32, #tpu.memory_space<vmem>>, vector<8x48xf32>
    %dot_general3A_39 = arith.constant dense<0.000000e+00> : vector<3x48xf32>
    %dot_general3A_40 = tpu.matmul %get3A_35, %get3A_38, %dot_general3A_39 {dimension_numbers = #tpu.dot_dimension_numbers<[1], [0], [0], [1], [0, 0, 1, 1], [], []>, precision = #tpu.contract_precision<fp32>, transpose_lhs_hint = false} : vector<3x8xf32>, vector<8x48xf32>, vector<3x48xf32> -> vector<3x48xf32>
    %get3A_41 = arith.constant 0 : index
    %get3A_42 = arith.constant 0 : index
    %get3A_43 = vector.load %arg2[%get3A_41, %get3A_42] : memref<9x8xf32, #tpu.memory_space<vmem>>, vector<9x8xf32>
    %get3A_44 = arith.constant 20 : index
    %get3A_45 = arith.constant 0 : index
    %get3A_46 = vector.load %arg3[%get3A_44, %get3A_45] : memref<28x48xf32, #tpu.memory_space<vmem>>, vector<8x48xf32>
    %dot_general3A_47 = arith.constant dense<0.000000e+00> : vector<9x48xf32>
    %dot_general3A_48 = tpu.matmul %get3A_43, %get3A_46, %dot_general3A_47 {dimension_numbers = #tpu.dot_dimension_numbers<[1], [0], [0], [1], [0, 0, 1, 1], [], []>, precision = #tpu.contract_precision<fp32>, transpose_lhs_hint = false} : vector<9x8xf32>, vector<8x48xf32>, vector<9x48xf32> -> vector<9x48xf32>
    %iota3A = tpu.iota {dimensions = array<i32: 0>} : vector<136x1xi32>
    %jit3A_49 = arith.constant 27 : i32
    %div3A = vector.broadcast %jit3A_49 : i32 to vector<136x1xi32>
    %div3A_50 = arith.divsi %iota3A, %div3A : vector<136x1xi32>
    %sign3A = arith.constant 0 : i32
    %sign3A_51 = vector.broadcast %sign3A : i32 to vector<136x1xi32>
    %sign3A_52 = arith.cmpi sgt, %iota3A, %sign3A_51 : vector<136x1xi32>
    %sign3A_53 = arith.extui %sign3A_52 : vector<136x1xi1> to vector<136x1xi32>
    %sign3A_54 = arith.constant 0 : i32
    %sign3A_55 = vector.broadcast %sign3A_54 : i32 to vector<136x1xi32>
    %sign3A_56 = arith.cmpi slt, %iota3A, %sign3A_55 : vector<136x1xi32>
    %sign3A_57 = arith.extui %sign3A_56 : vector<136x1xi1> to vector<136x1xi32>
    %sign3A_58 = arith.subi %sign3A_53, %sign3A_57 : vector<136x1xi32>
    %sign3A_59 = arith.constant 0 : i32
    %sign3A_60 = arith.cmpi sgt, %jit3A_49, %sign3A_59 : i32
    %sign3A_61 = arith.extui %sign3A_60 : i1 to i32
    %sign3A_62 = arith.constant 0 : i32
    %sign3A_63 = arith.cmpi slt, %jit3A_49, %sign3A_62 : i32
    %sign3A_64 = arith.extui %sign3A_63 : i1 to i32
    %sign3A_65 = arith.subi %sign3A_61, %sign3A_64 : i32
    %ne3A = vector.broadcast %sign3A_65 : i32 to vector<136x1xi32>
    %ne3A_66 = arith.cmpi ne, %sign3A_58, %ne3A : vector<136x1xi32>
    %rem3A = vector.broadcast %jit3A_49 : i32 to vector<136x1xi32>
    %rem3A_67 = arith.remsi %iota3A, %rem3A : vector<136x1xi32>
    %ne3A_68 = arith.constant 0 : i32
    %ne3A_69 = vector.broadcast %ne3A_68 : i32 to vector<136x1xi32>
    %ne3A_70 = arith.cmpi ne, %rem3A_67, %ne3A_69 : vector<136x1xi32>
    %and3A = arith.andi %ne3A_66, %ne3A_70 : vector<136x1xi1>
    %sub3A = arith.constant 1 : i32
    %sub3A_71 = vector.broadcast %sub3A : i32 to vector<136x1xi32>
    %sub3A_72 = arith.subi %div3A_50, %sub3A_71 : vector<136x1xi32>
    %select_n3A = arith.select %and3A, %sub3A_72, %div3A_50 : vector<136x1xi1>, vector<136x1xi32>
    %jit3A_73 = arith.constant 9 : i32
    %div3A_74 = vector.broadcast %jit3A_73 : i32 to vector<136x1xi32>
    %div3A_75 = arith.divsi %iota3A, %div3A_74 : vector<136x1xi32>
    %sign3A_76 = arith.constant 0 : i32
    %sign3A_77 = vector.broadcast %sign3A_76 : i32 to vector<136x1xi32>
    %sign3A_78 = arith.cmpi sgt, %iota3A, %sign3A_77 : vector<136x1xi32>
    %sign3A_79 = arith.extui %sign3A_78 : vector<136x1xi1> to vector<136x1xi32>
    %sign3A_80 = arith.constant 0 : i32
    %sign3A_81 = vector.broadcast %sign3A_80 : i32 to vector<136x1xi32>
    %sign3A_82 = arith.cmpi slt, %iota3A, %sign3A_81 : vector<136x1xi32>
    %sign3A_83 = arith.extui %sign3A_82 : vector<136x1xi1> to vector<136x1xi32>
    %sign3A_84 = arith.subi %sign3A_79, %sign3A_83 : vector<136x1xi32>
    %sign3A_85 = arith.constant 0 : i32
    %sign3A_86 = arith.cmpi sgt, %jit3A_73, %sign3A_85 : i32
    %sign3A_87 = arith.extui %sign3A_86 : i1 to i32
    %sign3A_88 = arith.constant 0 : i32
    %sign3A_89 = arith.cmpi slt, %jit3A_73, %sign3A_88 : i32
    %sign3A_90 = arith.extui %sign3A_89 : i1 to i32
    %sign3A_91 = arith.subi %sign3A_87, %sign3A_90 : i32
    %ne3A_92 = vector.broadcast %sign3A_91 : i32 to vector<136x1xi32>
    %ne3A_93 = arith.cmpi ne, %sign3A_84, %ne3A_92 : vector<136x1xi32>
    %rem3A_94 = vector.broadcast %jit3A_73 : i32 to vector<136x1xi32>
    %rem3A_95 = arith.remsi %iota3A, %rem3A_94 : vector<136x1xi32>
    %ne3A_96 = arith.constant 0 : i32
    %ne3A_97 = vector.broadcast %ne3A_96 : i32 to vector<136x1xi32>
    %ne3A_98 = arith.cmpi ne, %rem3A_95, %ne3A_97 : vector<136x1xi32>
    %and3A_99 = arith.andi %ne3A_93, %ne3A_98 : vector<136x1xi1>
    %sub3A_100 = arith.constant 1 : i32
    %sub3A_101 = vector.broadcast %sub3A_100 : i32 to vector<136x1xi32>
    %sub3A_102 = arith.subi %div3A_75, %sub3A_101 : vector<136x1xi32>
    %select_n3A_103 = arith.select %and3A_99, %sub3A_102, %div3A_75 : vector<136x1xi1>, vector<136x1xi32>
    %jit3A_104 = arith.constant 3 : i32
    %eq3A = arith.constant 0 : i32
    %eq3A_105 = arith.cmpi eq, %jit3A_104, %eq3A : i32
    %jit3A_106 = arith.constant 1 : i32
    %select_n3A_107 = arith.select %eq3A_105, %jit3A_106, %jit3A_104 : i32
    %rem3A_108 = vector.broadcast %select_n3A_107 : i32 to vector<136x1xi32>
    %rem3A_109 = arith.remsi %select_n3A_103, %rem3A_108 : vector<136x1xi32>
    %ne3A_110 = arith.constant 0 : i32
    %ne3A_111 = vector.broadcast %ne3A_110 : i32 to vector<136x1xi32>
    %ne3A_112 = arith.cmpi ne, %rem3A_109, %ne3A_111 : vector<136x1xi32>
    %lt3A = arith.constant 0 : i32
    %lt3A_113 = vector.broadcast %lt3A : i32 to vector<136x1xi32>
    %lt3A_114 = arith.cmpi slt, %rem3A_109, %lt3A_113 : vector<136x1xi32>
    %lt3A_115 = arith.constant 0 : i32
    %lt3A_116 = arith.cmpi slt, %select_n3A_107, %lt3A_115 : i32
    %ne3A_117 = vector.broadcast %lt3A_116 : i1 to vector<136x1xi1>
    %ne3A_118 = vector.broadcast %ne3A_117 : vector<136x1xi1> to vector<136x1xi1>
    %ne3A_119 = arith.xori %lt3A_114, %ne3A_118 : vector<136x1xi1>
    %and3A_120 = arith.andi %ne3A_119, %ne3A_112 : vector<136x1xi1>
    %add3A_121 = vector.broadcast %select_n3A_107 : i32 to vector<136x1xi32>
    %add3A_122 = arith.addi %rem3A_109, %add3A_121 : vector<136x1xi32>
    %select_n3A_123 = arith.select %and3A_120, %add3A_122, %rem3A_109 : vector<136x1xi1>, vector<136x1xi32>
    %jit3A_124 = arith.constant 9 : i32
    %eq3A_125 = arith.constant 0 : i32
    %eq3A_126 = arith.cmpi eq, %jit3A_124, %eq3A_125 : i32
    %jit3A_127 = arith.constant 1 : i32
    %select_n3A_128 = arith.select %eq3A_126, %jit3A_127, %jit3A_124 : i32
    %rem3A_129 = vector.broadcast %select_n3A_128 : i32 to vector<136x1xi32>
    %rem3A_130 = arith.remsi %iota3A, %rem3A_129 : vector<136x1xi32>
    %ne3A_131 = arith.constant 0 : i32
    %ne3A_132 = vector.broadcast %ne3A_131 : i32 to vector<136x1xi32>
    %ne3A_133 = arith.cmpi ne, %rem3A_130, %ne3A_132 : vector<136x1xi32>
    %lt3A_134 = arith.constant 0 : i32
    %lt3A_135 = vector.broadcast %lt3A_134 : i32 to vector<136x1xi32>
    %lt3A_136 = arith.cmpi slt, %rem3A_130, %lt3A_135 : vector<136x1xi32>
    %lt3A_137 = arith.constant 0 : i32
    %lt3A_138 = arith.cmpi slt, %select_n3A_128, %lt3A_137 : i32
    %ne3A_139 = vector.broadcast %lt3A_138 : i1 to vector<136x1xi1>
    %ne3A_140 = vector.broadcast %ne3A_139 : vector<136x1xi1> to vector<136x1xi1>
    %ne3A_141 = arith.xori %lt3A_136, %ne3A_140 : vector<136x1xi1>
    %and3A_142 = arith.andi %ne3A_141, %ne3A_133 : vector<136x1xi1>
    %add3A_143 = vector.broadcast %select_n3A_128 : i32 to vector<136x1xi32>
    %add3A_144 = arith.addi %rem3A_130, %add3A_143 : vector<136x1xi32>
    %select_n3A_145 = arith.select %and3A_142, %add3A_144, %rem3A_130 : vector<136x1xi1>, vector<136x1xi32>
    %iota3A_146 = tpu.iota {dimensions = array<i32: 1>} : vector<136x5xi32>
    %eq3A_147 = vector.broadcast %select_n3A : vector<136x1xi32> to vector<136x5xi32>
    %eq3A_148 = arith.cmpi eq, %iota3A_146, %eq3A_147 : vector<136x5xi32>
    %convert_element_type3A = arith.extui %eq3A_148 : vector<136x5xi1> to vector<136x5xi32>
    %convert_element_type3A_149 = arith.sitofp %convert_element_type3A : vector<136x5xi32> to vector<136x5xf32>
    %iota3A_150 = tpu.iota {dimensions = array<i32: 1>} : vector<136x3xi32>
    %eq3A_151 = vector.broadcast %select_n3A_123 : vector<136x1xi32> to vector<136x3xi32>
    %eq3A_152 = arith.cmpi eq, %iota3A_150, %eq3A_151 : vector<136x3xi32>
    %convert_element_type3A_153 = arith.extui %eq3A_152 : vector<136x3xi1> to vector<136x3xi32>
    %convert_element_type3A_154 = arith.sitofp %convert_element_type3A_153 : vector<136x3xi32> to vector<136x3xf32>
    %iota3A_155 = tpu.iota {dimensions = array<i32: 1>} : vector<136x9xi32>
    %eq3A_156 = vector.broadcast %select_n3A_145 : vector<136x1xi32> to vector<136x9xi32>
    %eq3A_157 = arith.cmpi eq, %iota3A_155, %eq3A_156 : vector<136x9xi32>
    %convert_element_type3A_158 = arith.extui %eq3A_157 : vector<136x9xi1> to vector<136x9xi32>
    %convert_element_type3A_159 = arith.sitofp %convert_element_type3A_158 : vector<136x9xi32> to vector<136x9xf32>
    %dot_general3A_160 = arith.constant dense<0.000000e+00> : vector<136x48xf32>
    %dot_general3A_161 = tpu.matmul %convert_element_type3A_149, %dot_general3A_32, %dot_general3A_160 {dimension_numbers = #tpu.dot_dimension_numbers<[1], [0], [0], [1], [0, 0, 1, 1], [], []>, precision = #tpu.contract_precision<fp32>, transpose_lhs_hint = false} : vector<136x5xf32>, vector<5x48xf32>, vector<136x48xf32> -> vector<136x48xf32>
    %dot_general3A_162 = arith.constant dense<0.000000e+00> : vector<136x48xf32>
    %dot_general3A_163 = tpu.matmul %convert_element_type3A_154, %dot_general3A_40, %dot_general3A_162 {dimension_numbers = #tpu.dot_dimension_numbers<[1], [0], [0], [1], [0, 0, 1, 1], [], []>, precision = #tpu.contract_precision<fp32>, transpose_lhs_hint = false} : vector<136x3xf32>, vector<3x48xf32>, vector<136x48xf32> -> vector<136x48xf32>
    %add3A_164 = arith.addf %dot_general3A_161, %dot_general3A_163 : vector<136x48xf32>
    %dot_general3A_165 = arith.constant dense<0.000000e+00> : vector<136x48xf32>
    %dot_general3A_166 = tpu.matmul %convert_element_type3A_159, %dot_general3A_48, %dot_general3A_165 {dimension_numbers = #tpu.dot_dimension_numbers<[1], [0], [0], [1], [0, 0, 1, 1], [], []>, precision = #tpu.contract_precision<fp32>, transpose_lhs_hint = false} : vector<136x9xf32>, vector<9x48xf32>, vector<136x48xf32> -> vector<136x48xf32>
    %add3A_167 = arith.addf %add3A_164, %dot_general3A_166 : vector<136x48xf32>
    %get3A_168 = arith.constant 0 : index
    %get3A_169 = arith.constant 0 : index
    %get3A_170 = vector.load %arg4[%get3A_168, %get3A_169] : memref<1x48xf32, #tpu.memory_space<vmem>>, vector<1x48xf32>
    %add3A_171 = vector.broadcast %get3A_170 : vector<1x48xf32> to vector<136x48xf32>
    %add3A_172 = arith.addf %add3A_167, %add3A_171 : vector<136x48xf32>
    %max3A_173 = arith.constant 0.000000e+00 : f32
    %max3A_174 = vector.broadcast %max3A_173 : f32 to vector<136x48xf32>
    %max3A_175 = arith.maximumf %add3A_172, %max3A_174 : vector<136x48xf32>
    %get3A_176 = arith.constant 0 : index
    %get3A_177 = arith.constant 0 : index
    %get3A_178 = vector.load %arg5[%get3A_176, %get3A_177] : memref<48x48xf32, #tpu.memory_space<vmem>>, vector<48x48xf32>
    %dot_general3A_179 = arith.constant dense<0.000000e+00> : vector<136x48xf32>
    %dot_general3A_180 = tpu.matmul %max3A_175, %get3A_178, %dot_general3A_179 {dimension_numbers = #tpu.dot_dimension_numbers<[1], [0], [0], [1], [0, 0, 1, 1], [], []>, precision = #tpu.contract_precision<fp32>, transpose_lhs_hint = false} : vector<136x48xf32>, vector<48x48xf32>, vector<136x48xf32> -> vector<136x48xf32>
    %get3A_181 = arith.constant 0 : index
    %get3A_182 = arith.constant 0 : index
    %get3A_183 = vector.load %arg6[%get3A_181, %get3A_182] : memref<1x48xf32, #tpu.memory_space<vmem>>, vector<1x48xf32>
    %add3A_184 = vector.broadcast %get3A_183 : vector<1x48xf32> to vector<136x48xf32>
    %add3A_185 = arith.addf %dot_general3A_180, %add3A_184 : vector<136x48xf32>
    %broadcast_in_dim3A = arith.constant 0.000000e+00 : f32
    %broadcast_in_dim3A_186 = vector.broadcast %broadcast_in_dim3A : f32 to vector<136x80xf32>
    %concatenate3A = tpu.concatenate %add3A_185, %broadcast_in_dim3A_186 in 1 : vector<136x48xf32>, vector<136x80xf32> -> vector<136x128xf32>
    %swap3A_187 = arith.constant 0 : index
    %swap3A_188 = arith.constant 0 : index
    %swap3A_189 = vector.load %arg8[%swap3A_187, %swap3A_188] : memref<136x128xf32, #tpu.memory_space<vmem>>, vector<136x128xf32>
    tpu.vector_store %arg8[%swap3A_187, %swap3A_188], %concatenate3A {strides = array<i32>} : memref<136x128xf32, #tpu.memory_space<vmem>>, vector<136x128xf32>,
    return
  }
}

</mosaic_0001>

<sc_bundles>
// kernel: kernel.5.cloned.1.call-start
scs
__scs_entry_jumppad:
0x0: {  	(pc) =	sbr.rel $0x88, $3  }
0x1: {  	(tag) =	ssettag $0x0;
	lr =	simm.s32 $0x1  }
0x2: {  	[smem:$0x3F99] =	sst lr;
	_ =	strace $0xD0000000  }
0x3: {  	_ = 	snop  }
0x4: {  	_ = 	snop  }
0x5: {  	_ = 	snop  }
0x6: {  	_ = 	snop  }
0x7: {  	_ = 	snop  }
__scs_overlays_trampoline_lowered:
0x8: {  	[smem:$0x3FA8] =	sst s0  }
0x9: {  	[smem:$0x3FA9] =	sst s1  }
0xa: {  	[smem:$0x3FAA] =	sst s2  }
0xb: {  	[smem:$0x3FAB] =	sst s3  }
0xc: {  	[smem:$0x3FAC] =	sst s4  }
0xd: {  	[smem:$0x3FAD] =	sst s5  }
0xe: {  	[smem:$0x3FAE] =	sst s6  }
0xf: {  	[smem:$0x3FAF] =	sst s7  }
0x10: {  	[smem:$0x3FB0] =	sst s8  }
0x11: {  	[smem:$0x3FB1] =	sst s9;
	s0 =	simm.s32 @!p0 $0x0  }
0x12: {  	s1 =	sld [smem:$0x3F97];
	s0 =	simm.s32 @p0 $0x1  }
0x13: {  	[smem:$0x3FB2] =	sst s0;
	s0 =	simm.s32 @!p1 $0x0  }
0x14: {  	s2 =	sld [smem:$0x3F96];
	s0 =	simm.s32 @p1 $0x1  }
0x15: {  	[smem:$0x3FB3] =	sst s0;
	s0 =	simm.s32 @!p2 $0x0  }
0x16: {  	s3 =	sld [smem:$0x3FDB];
	s0 =	simm.s32 @p2 $0x1  }
0x17: {  	s4 =	simm.s32 $0x1BF5;
	[smem:$0x3FB5] =	sst s0  }
0x18: {  	s0 =	sld [smem:$0x3F98];
	_ =	swait.ge [sflag:s4], $0x0  }
0x19: {  	s7 =	sld [smem:$0x3F99]  }
0x1a: {  	s8 =	sadd.s32 $0xFFFFE003, lr  }
0x1b: {  	s9 =	sadd.s32 $0xFFFFFEF7, lr;
	s5 =	simm.s32 $0xFFFFFFFF;
	p2 =	slt.u32 s8, $0xFFFFF086  }
0x1c: {  	p1 =	slt.u32 s9, $0xF7A;
	s5 =	simm.s32 @!p2 $0x0  }
0x1d: {  	s5 =	simm.s32 @p1 $0x1;
	p0 =	seq.s32 s7, s2  }
0x1e: {  	s7 =	smul.u32 @!p0 $0xF7A, s2;
	p2 =	seq.s32 @!p0 s5, $0x0  }
0x1f: {  	s9 =	smul.u32 $0xF7A, s1;
	s8 =	simm.s32 @!p0 $0x1BF5;
	p2 =	por !p2, p0  }
0x20: {  	[sflag:s8] =	ssyncset.s32 @!p0 $0xFFFFF086;
	s6 =	sadd.s32 @!p0 s3, s7;
	s7 =	simm.s32 @!p0 $0x108  }
0x21: {  	s3 =	sadd.s32 s3, s9;
	s6 =	sadd.s32 @!p0 $0x88, s6;
	s7 =	simm.s32 @p2 $0x1082  }
0x22: {  	[simem:s7], [sflag:s8] =	dma.local @!p0 [hbm:s6], $0xF7A  }
0x23: {  	s9 =	sor.u32 $0xD0000000, s2;
	s6 =	simm.s32 $0x108;
	_ =	swait.ge @!p0 [sflag:s8], $0x0  }
0x24: {  	s3 =	sadd.s32 $0x88, s3;
	s6 =	simm.s32 @!p1 $0x1082;
	[sflag:s4] =	ssyncset.s32 $0xFFFFF086  }
0x25: {  	[simem:s6], [sflag:s4] =	dma.local [hbm:s3], $0xF7A  }
0x26: {  	[smem:$0x3F99] =	sst s1;
	(tag) =	ssettag s2;
	_ =	strace s9  }
0x27: {  	s1 =	sld [smem:$0x3FA9]  }
0x28: {  	s2 =	sld [smem:$0x3FAA]  }
0x29: {  	s4 =	sld [smem:$0x3FAC]  }
0x2a: {  	p0 =	seq.s32 s5, $0x0;
	s5 =	sld [smem:$0x3FAD]  }
0x2b: {  	s6 =	sld [smem:$0x3FAE]  }
0x2c: {  	s7 =	sld [smem:$0x3FAF]  }
0x2d: {  	s3 =	simm.s32 $0x108;
	s8 =	sld [smem:$0x3FB0]  }
0x2e: {  	s3 =	simm.s32 @!p0 $0x1082;
	s9 =	sld [smem:$0x3FB1]  }
0x2f: {  	lr =	sadd.s32 s0, s3;
	s0 =	sld [smem:$0x3FA8]  }
0x30: {  	s3 =	sld [smem:$0x3FAB]  }
0x31: {  	[smem:$0x3FB4] =	sst s10  }
0x32: {  	s10 =	sld [smem:$0x3FB2];
	_ =	sdelay $0x3  }
0x33: {  	p0 =	seq.s32 s10, $0x1;
	s10 =	sld [smem:$0x3FB4];
	_ =	sdelay $0x3  }
0x34: {  	[smem:$0x3FB4] =	sst s10  }
0x35: {  	s10 =	sld [smem:$0x3FB3];
	_ =	sdelay $0x3  }
0x36: {  	p1 =	seq.s32 s10, $0x1;
	s10 =	sld [smem:$0x3FB4];
	_ =	sdelay $0x3  }
0x37: {  	[smem:$0x3FB4] =	sst s10  }
0x38: {  	s10 =	sld [smem:$0x3FB5]  }
0x39: {  	_ = 	snop;
	(pc) =	sbr.ind lr, $3  }
0x3a: {  	_ = 	snop  }
0x3b: {  	_ = 	snop  }
0x3c: {  	p2 =	seq.s32 s10, $0x1;
	s10 =	sld [smem:$0x3FB4]  }
0x3d: {  	_ =	shalt  }
0x3e: {  	_ =	shalt  }
0x3f: {  	_ =	shalt  }
0x40: {  	_ =	shalt  }
0x41: {  	_ =	shalt  }
0x42: {  	_ =	shalt  }
0x43: {  	_ =	shalt  }
0x44: {  	_ =	shalt  }
0x45: {  	_ =	shalt  }
0x46: {  	_ =	shalt  }
0x47: {  	_ =	shalt  }
0x48: {  	_ =	shalt  }
0x49: {  	_ =	shalt  }
0x4a: {  	_ =	shalt  }
0x4b: {  	_ =	shalt  }
0x4c: {  	_ =	shalt  }
0x4d: {  	_ =	shalt  }
0x4e: {  	_ =	shalt  }
0x4f: {  	_ =	shalt  }
0x50: {  	_ =	shalt  }
0x51: {  	_ =	shalt  }
0x52: {  	_ =	shalt  }
0x53: {  	_ =	shalt  }
0x54: {  	_ =	shalt  }
0x55: {  	_ =	shalt  }
0x56: {  	_ =	shalt  }
0x57: {  	_ =	shalt  }
0x58: {  	_ =	shalt  }
0x59: {  	_ =	shalt  }
0x5a: {  	_ =	shalt  }
0x5b: {  	_ =	shalt  }
0x5c: {  	_ =	shalt  }
0x5d: {  	_ =	shalt  }
0x5e: {  	_ =	shalt  }
0x5f: {  	_ =	shalt  }
0x60: {  	_ =	shalt  }
0x61: {  	_ =	shalt  }
0x62: {  	_ =	shalt  }
0x63: {  	_ =	shalt  }
0x64: {  	_ =	shalt  }
0x65: {  	_ =	shalt  }
0x66: {  	_ =	shalt  }
0x67: {  	_ =	shalt  }
0x68: {  	_ =	shalt  }
0x69: {  	_ =	shalt  }
0x6a: {  	_ =	shalt  }
0x6b: {  	_ =	shalt  }
0x6c: {  	_ =	shalt  }
0x6d: {  	_ =	shalt  }
0x6e: {  	_ =	shalt  }
0x6f: {  	_ =	shalt  }
0x70: {  	_ =	shalt  }
0x71: {  	_ =	shalt  }
0x72: {  	_ =	shalt  }
0x73: {  	_ =	shalt  }
0x74: {  	_ =	shalt  }
0x75: {  	_ =	shalt  }
0x76: {  	_ =	shalt  }
0x77: {  	_ =	shalt  }
0x78: {  	_ =	shalt  }
0x79: {  	_ =	shalt  }
0x7a: {  	_ =	shalt  }
0x7b: {  	_ =	shalt  }
0x7c: {  	_ =	shalt  }
0x7d: {  	_ =	shalt  }
0x7e: {  	_ =	shalt  }
0x7f: {  	_ =	shalt  }
0x80: {  	_ =	shalt  }
0x81: {  	_ =	shalt  }
0x82: {  	_ =	shalt  }
0x83: {  	_ =	shalt  }
0x84: {  	_ =	shalt  }
0x85: {  	_ =	shalt  }
0x86: {  	_ =	shalt  }
0x87: {  	_ =	shalt  }
.Lfunc_end0:
.L_simem_size_0:
called_computation_lowered:
.L_overlay_start_0:
0x88: {  	s2 =	sld [smem:$0x3FD9]  }
0x89: {  	s3 =	sld [smem:$0x3FFE];
	_ =	sdelay $0x1  }
0x8a: {  	s1 =	srdreg.scid  }
0x8b: {  	s0 =	sand.u32 $0x1, s1  }
0x8c: {  	s17 =	sshll.u32 s0, $0xA;
	s2 =	sadd.s32 s3, s2  }
0x8d: {  	s2 =	sadd.s32 s2, s17  }
0x8e: {  	[smem:$0x3FC0] =	sst s2  }
0x8f: {  	_ = 	snop  }
0x90: {  	s2 =	sld [smem:$0x3FD0];
	(tm) =	ssettm $0x1  }
0x91: {  	s18 =	sld [smem:$0x3FFB];
	_ =	sdelay $0x3  }
0x92: {  	_ =	strace s18  }
0x93: {  	s3 =	sld [smem:$0x3FFC];
	_ =	sdelay $0x3  }
0x94: {  	_ =	strace s3  }
0x95: {  	s3 =	sld [smem:$0x3FFD];
	_ =	sdelay $0x3  }
0x96: {  	_ =	strace s3  }
0x97: {  	_ =	strace $0x8FFFFFFF  }
0x98: {  	s19 =	sld [smem:$0x3FDB];
	_ =	sdelay $0x1  }
0x99: {  	s4 =	simm.s32 $_scs_section_size  }
0x9a: {  	s5 =	simm.s32 $_size__tile_overlayer_lowered;
	s6 =	simm.s32 $_tile_overlayer_lowered  }
0x9b: {  	s22 =	simm.s32 $0x1BFF;
	s21 =	sshll.u32 s6, $0x1;
	s3 =	sadd.s32 s4, s19  }
0x9c: {  	s7 =	simm.s32 $0x0;
	s20 =	sshll.u32 s5, $0x1;
	s5 =	sadd.s32 s21, s3  }
0x9d: {  	[timem:s7], [sflag:s22] =	dma.local [hbm:s5], s20  }
0x9e: {  	_ =	swait.ge [sflag:s22], s20  }
0x9f: {  	s4 =	ssub.s32 $0x0, s20;
	[sflag:s22] =	ssyncset.done $0x0  }
0xa0: {  	[sflag:s22] =	ssyncadd.s32 s4;
	_ =	sdelay $0x1  }
0xa1: {  	s23 =	simm.s32 $0x1B8B  }
0xa2: {  	_ =	swait.ge [sflag:s23], $0x1  }
0xa3: {  	[sflag:s23] =	ssyncset.done $0x0  }
0xa4: {  	s25 =	simm.s32 $0x1B8E;
	s24 =	sld [smem:$0x3FFE];
	[sflag:s23] =	ssyncadd.s32 $0xFFFFFFFF  }
0xa5: {  	s26 =	simm.s32 $execute0_lowered;
	[smem:$0x3FD2] =	sst s25  }
0xa6: {  	s5 =	sshll.u32 s26, $0x1;
	_ =	strace $0x80000046;
	[dreg:$0x1] =	wrdreg $0xFFFFFFFF  }
0xa7: {  	s28 =	simm.s32 $_size_execute0_lowered;
	s3 =	sadd.s32 s3, s5;
	[dreg:$0x0] =	wrdreg $0x0  }
0xa8: {  	s5 =	sshll.u32 s28, $0x1;
	[dreg:$0x2] =	wrdreg s3  }
0xa9: {  	[dreg:$0x3] =	wrdreg s5  }
0xaa: {  	[dreg:$0x4] =	wrdreg $0xC0  }
0xab: {  	_ =	task [dreg:s7], $0x5FFFF  }
0xac: {  	[dreg:$0x1] =	wrdreg $0xFFFFFFFF  }
0xad: {  	[dreg:$0x0] =	wrdreg $0x60  }
0xae: {  	[dreg:$0x2] =	wrdreg s2  }
0xaf: {  	[dreg:$0x3] =	wrdreg s24  }
0xb0: {  	[dreg:$0x4] =	wrdreg $0x102000  }
0xb1: {  	[dreg:$0x5] =	wrdreg $0x9  }
0xb2: {  	_ =	task.clear_ibuf [dreg:s7], $0x6FFFF;
	_ =	strace $0x90000046  }
0xb3: {  	s29 =	simm.s32 $0x9;
	_ =	strace $0x80000048  }
0xb4: {  	_ =	swait.ge [sflag:s29], $0x1  }
0xb5: {  	[sflag:s29] =	ssyncadd.s32 $0xFFFFFFFF  }
0xb6: {  	_ =	strace $0x90000048  }
0xb7: {  	_ =	sfence  }
0xb8: {  	s30 =	sld [smem:$0x0];
	_ =	sdelay $0x2  }
0xb9: {  	s31 =	sshll.u32 s1, $0xD;
	s1 =	sshrl.u32 s1, $0x2  }
0xba: {  	s3 =	sand.u32 $0x4000, s31;
	s1 =	sadd.s32 s1, s30  }
0xbb: {  	s0 =	sor.u32 s3, s0;
	s1 =	sshll.u32 s1, $0x11  }
0xbc: {  	s0 =	sor.u32 s1, s0  }
0xbd: {  	s0 =	sadd.s32 $0x8F2B, s0  }
0xbe: {  	[sflag:s0] =	ssyncadd.remote.s32 $0x1  }
0xbf: {  	_ =	sfence.sel $0xFFFF  }
0xc0: {  	[dreg:$0x0] =	wrdreg $0xFFFFFFFF;
	(pc) =	sbr.abs _section_cstart, $3  }
0xc1: {  	[dreg:$0x1] =	wrdreg $0xFFFFFFFF  }
0xc2: {  	_ =	task.clear_ibuf [dreg:s7], $0x2FFFF;
	_ =	strace $0x9FFFFFFF  }
0xc3: {  	(tm) =	ssettm $0x7FFFFFFF  }
tec
execute0_lowered:
.L_overlay_start_1:
0x0: {  	(tag) =	ssettag $0x1  }
0x1: {  	s1 =	srdreg.scid;
	s0 =	rddreg [dreg:$0x0]  }
0x2: {  	s5 =	stileid.u32;
	s17 =	rddreg [dreg:$0x1];
	s25 =	sand.u32 $0x1, s1  }
0x3: {  	s2 =	rddreg [dreg:$0x2];
	s31 =	sshll.u32 s5, $0xA;
	s3 =	sshll.u32 s25, $0x9  }
0x4: {  	s1 =	rddreg [dreg:$0x3];
	p0 =	sne.s32 s5, $0x0;
	s18 =	sor.u32 s3, s31  }
0x5: {  	s5 =	sshrl.u32 @!p0 s2, $0x3;
	s3 =	simm.s32 $0x0;
	s4 =	sshrl.u32 s18, $0x3  }
0x6: {  	s6 =	simm.s32 @!p0 $0x1C02;
	[smem:$0x7FF] =	sst s3;
	s4 =	sadd.s32 s4, s17  }
0x7: {  	s7 =	simm.s32 @!p0 $0x2;
	_ =	strace $0x80000047;
	s4 =	sadd.s32 $0x1A00, s4  }
0x8: {  	[tilespmem:s3], [sflag:$0x1] =	stream.linear.gather [hbm4b:s4+s3], $0x200, $0x38;
	[tilespmem:$0x10640] =	vst v63  }
0x9: {  	[spmem:s5], [sflag:s6] =	dma.local @!p0 [hbm:s0], $0x880  }
0xa: {  	_ =	swait.ge @!p0 [sflag:s7], $0x880  }
0xb: {  	[sflag:s7] =	ssyncset.done @!p0 $0x0  }
0xc: {  	s8 =	simm.s32 $0x1;
	[sflag:s7] =	ssyncadd.s32 @!p0 $0xFFFFF780  }
0xd: {  	_ =	swait.ge [sflag:s8], $0x200  }
0xe: {  	[sflag:s8] =	ssyncset.done $0x0  }
0xf: {  	[sflag:s8] =	ssyncadd.s32 $0xFFFFFE00  }
0x10: {  	s9 =	simm.s32 $0x80;
	s10 =	simm.s32 $0x200;
	[bflag:$0x0] =	sbarrier.arrive $0xFFFF  }
0x11: {  	[tilespmem:s10], [sflag:$0x3] =	stream.indirect.gather [spmem:s2], $0x80, s3, s9, $0xb8;
	[tilespmem:$0x10640] =	vst v63  }
0x12: {  	s11 =	simm.s32 $0x4200  }
0x13: {  	[tilespmem:s11], [sflag:$0x4] =	stream.indirect.gather [spmem:s2], $0x80, s9, s9, $0xb8;
	[tilespmem:$0x10640] =	vst v63  }
0x14: {  	s12 =	simm.s32 $0x100;
	s13 =	simm.s32 $0x8200  }
0x15: {  	[tilespmem:s13], [sflag:$0x5] =	stream.indirect.gather [spmem:s2], $0x80, s12, s9, $0xb8;
	[tilespmem:$0x10640] =	vst v63  }
0x16: {  	s14 =	simm.s32 $0x180;
	s15 =	simm.s32 $0xC200;
	s16 =	simm.s32 $0x3  }
0x17: {  	[tilespmem:s15], [sflag:$0x6] =	stream.indirect.gather [spmem:s2], $0x80, s14, s9, $0xb8;
	[tilespmem:$0x10640] =	vst v63  }
0x18: {  	s18 =	sshll.u32 s18, $0x4;
	_ =	swait.ge [sflag:s16], $0x4000  }
0x19: {  	s23 =	sadd.s32 s18, s17;
	[sflag:s16] =	ssyncset.done $0x0  }
0x1a: {  	s18 =	simm.s32 $0x4;
	s17 =	sadd.s32 $0x2200, s23;
	[sflag:s16] =	ssyncadd.s32 $0xFFFFC000  }
0x1b: {  	[hbm4b:s17+s3] =	stream.linear.scatter [tilespmem:s10], [sflag:$0x2], $0x4000, $0x38;
	[tilespmem:$0x10640] =	vst v63  }
0x1c: {  	_ =	swait.ge [sflag:s18], $0x4000  }
0x1d: {  	[sflag:s18] =	ssyncset.done $0x0  }
0x1e: {  	s20 =	simm.s32 $0x5;
	s19 =	sadd.s32 $0x2A00, s23;
	[sflag:s18] =	ssyncadd.s32 $0xFFFFC000  }
0x1f: {  	[hbm4b:s19+s3] =	stream.linear.scatter [tilespmem:s11], [sflag:$0x2], $0x4000, $0x38;
	[tilespmem:$0x10640] =	vst v63  }
0x20: {  	_ =	swait.ge [sflag:s20], $0x4000  }
0x21: {  	[sflag:s20] =	ssyncset.done $0x0  }
0x22: {  	s22 =	simm.s32 $0x6;
	s21 =	sadd.s32 $0x3200, s23;
	[sflag:s20] =	ssyncadd.s32 $0xFFFFC000  }
0x23: {  	[hbm4b:s21+s3] =	stream.linear.scatter [tilespmem:s13], [sflag:$0x2], $0x4000, $0x38;
	[tilespmem:$0x10640] =	vst v63  }
0x24: {  	_ =	swait.ge [sflag:s22], $0x4000  }
0x25: {  	[sflag:s22] =	ssyncset.done $0x0  }
0x26: {  	s24 =	sadd.s32 $0x3A00, s23;
	s23 =	simm.s32 $0x2;
	[sflag:s22] =	ssyncadd.s32 $0xFFFFC000  }
0x27: {  	[hbm4b:s24+s3] =	stream.linear.scatter [tilespmem:s15], [sflag:$0x2], $0x4000, $0x38;
	[tilespmem:$0x10640] =	vst v63  }
0x28: {  	s25 =	ssub.s32 $0x2, s25;
	_ =	swait.ge [sflag:s23], $0x4000  }
0x29: {  	s26 =	sshrl.u32 s25, $0x1;
	[sflag:s23] =	ssyncset.done $0x0  }
0x2a: {  	s25 =	ssub.s32 s25, s26;
	[sflag:s23] =	ssyncadd.s32 $0xFFFFC000  }
0x2b: {  	s25 =	smax.u32 s25, $0x1;
	_ =	swait.ge [sflag:s23], $0x4000  }
0x2c: {  	s25 =	sadd.s32 $0xFFFFFFFF, s25;
	[sflag:s23] =	ssyncset.done $0x0  }
0x2d: {  	p1 =	sne.s32 s25, $0x0;
	[sflag:s23] =	ssyncadd.s32 $0xFFFFC000  }
.Ltmp0:
0x2e: {  	_ =	swait.ge [sflag:s23], $0x4000;
	(pc) =	sbr.rel @!p1 .LBB2_2-.Ltmp0, $4  }
0x2f: {  	[sflag:s23] =	ssyncset.done $0x0  }
0x30: {  	[sflag:s23] =	ssyncadd.s32 $0xFFFFC000  }
0x31: {  	_ =	swait.ge [sflag:s23], $0x4000  }
0x32: {  	[sflag:s23] =	ssyncset.done $0x0  }
.LBB2_1:
0x33: {  	[sflag:s23] =	ssyncadd.s32 $0xFFFFC000  }
0x34: {  	[tilespmem:s3], [sflag:$0x1] =	stream.linear.gather [hbm4b:s4+s3], $0x200, $0x38;
	[tilespmem:$0x10640] =	vst v63  }
0x35: {  	[spmem:s5], [sflag:s6] =	dma.local @!p0 [hbm:s0], $0x880  }
0x36: {  	s25 =	sadd.s32 $0xFFFFFFFF, s25;
	_ =	swait.ge @!p0 [sflag:s7], $0x880  }
0x37: {  	p1 =	sne.s32 s25, $0x0;
	[sflag:s7] =	ssyncset.done @!p0 $0x0  }
0x38: {  	[sflag:s7] =	ssyncadd.s32 @!p0 $0xFFFFF780  }
0x39: {  	_ =	swait.ge [sflag:s8], $0x200  }
0x3a: {  	[sflag:s8] =	ssyncset.done $0x0  }
0x3b: {  	[sflag:s8] =	ssyncadd.s32 $0xFFFFFE00  }
0x3c: {  	[bflag:$0x0] =	sbarrier.arrive $0xFFFF  }
0x3d: {  	[tilespmem:s10], [sflag:$0x3] =	stream.indirect.gather [spmem:s2], $0x80, s3, s9, $0xb8;
	[tilespmem:$0x10640] =	vst v63  }
0x3e: {  	_ = 	snop  }
0x3f: {  	[tilespmem:s11], [sflag:$0x4] =	stream.indirect.gather [spmem:s2], $0x80, s9, s9, $0xb8;
	[tilespmem:$0x10640] =	vst v63  }
0x40: {  	_ = 	snop  }
0x41: {  	[tilespmem:s13], [sflag:$0x5] =	stream.indirect.gather [spmem:s2], $0x80, s12, s9, $0xb8;
	[tilespmem:$0x10640] =	vst v63  }
0x42: {  	_ = 	snop  }
0x43: {  	[tilespmem:s15], [sflag:$0x6] =	stream.indirect.gather [spmem:s2], $0x80, s14, s9, $0xb8;
	[tilespmem:$0x10640] =	vst v63  }
0x44: {  	_ =	swait.ge [sflag:s16], $0x4000  }
0x45: {  	[sflag:s16] =	ssyncset.done $0x0  }
0x46: {  	[sflag:s16] =	ssyncadd.s32 $0xFFFFC000  }
0x47: {  	[hbm4b:s17+s3] =	stream.linear.scatter [tilespmem:s10], [sflag:$0x2], $0x4000, $0x38;
	[tilespmem:$0x10640] =	vst v63  }
0x48: {  	_ =	swait.ge [sflag:s18], $0x4000  }
0x49: {  	[sflag:s18] =	ssyncset.done $0x0  }
0x4a: {  	[sflag:s18] =	ssyncadd.s32 $0xFFFFC000  }
0x4b: {  	[hbm4b:s19+s3] =	stream.linear.scatter [tilespmem:s11], [sflag:$0x2], $0x4000, $0x38;
	[tilespmem:$0x10640] =	vst v63  }
0x4c: {  	_ =	swait.ge [sflag:s20], $0x4000  }
0x4d: {  	[sflag:s20] =	ssyncset.done $0x0  }
0x4e: {  	[sflag:s20] =	ssyncadd.s32 $0xFFFFC000  }
0x4f: {  	[hbm4b:s21+s3] =	stream.linear.scatter [tilespmem:s13], [sflag:$0x2], $0x4000, $0x38;
	[tilespmem:$0x10640] =	vst v63  }
0x50: {  	_ =	swait.ge [sflag:s22], $0x4000  }
0x51: {  	[sflag:s22] =	ssyncset.done $0x0  }
0x52: {  	[sflag:s22] =	ssyncadd.s32 $0xFFFFC000  }
0x53: {  	[hbm4b:s24+s3] =	stream.linear.scatter [tilespmem:s15], [sflag:$0x2], $0x4000, $0x38;
	[tilespmem:$0x10640] =	vst v63  }
0x54: {  	_ =	swait.ge [sflag:s23], $0x4000  }
0x55: {  	[sflag:s23] =	ssyncset.done $0x0  }
0x56: {  	[sflag:s23] =	ssyncadd.s32 $0xFFFFC000  }
0x57: {  	_ =	swait.ge [sflag:s23], $0x4000  }
0x58: {  	[sflag:s23] =	ssyncset.done $0x0  }
0x59: {  	[sflag:s23] =	ssyncadd.s32 $0xFFFFC000  }
.Ltmp1:
0x5a: {  	_ =	swait.ge [sflag:s23], $0x4000;
	(pc) =	sbr.rel @p1 .LBB2_1-.Ltmp1, $4  }
0x5b: {  	[sflag:s23] =	ssyncset.done $0x0  }
0x5c: {  	[sflag:s23] =	ssyncadd.s32 $0xFFFFC000  }
0x5d: {  	_ =	swait.ge [sflag:s23], $0x4000  }
0x5e: {  	[sflag:s23] =	ssyncset.done $0x0  }
.LBB2_2:
0x5f: {  	[sflag:s23] =	ssyncadd.s32 $0xFFFFC000  }
0x60: {  	_ =	sfence.sel $0x180000  }
0x61: {  	[bflag:$0x0] =	sbarrier.arrive $0xFFFF  }
0x62: {  	_ =	strace $0x90000047  }
0x63: {  	s0 =	sadd.s32 @!p0 $0x100000, s1;
	[bflag:$0x2] =	sbarrier.arrive $0xFFFF  }
0x64: {  	[sflag:s0] =	ssyncadd.tile.s32 @!p0 $0x1;
	_ =	shalt  }
.Lfunc_end2:
_tile_overlayer_lowered:
.L_overlay_start_2:
0x65: {  	(tag) =	ssettag $0x2  }
0x66: {  	s0 =	rddreg [dreg:$0x0];
	s2 =	stileid.u32  }
0x67: {  	s1 =	rddreg [dreg:$0x1];
	p0 =	sne.s32 s2, $0x0  }
0x68: {  	s3 =	rddreg [dreg:$0x2];
	[bflag:$0x3] =	sbarrier.arrive $0xFFFF;
	s2 =	simm.s32 @!p0 $0x1C07  }
0x69: {  	[timem:s3], [sflag:s2] =	dma.local @!p0 [hbm:s0], s1  }
0x6a: {  	s0 =	simm.s32 @!p0 $0x7  }
0x6b: {  	_ =	swait.ge @!p0 [sflag:s0], s1  }
0x6c: {  	s1 =	ssub.s32 @!p0 $0x0, s1;
	[sflag:s0] =	ssyncset.done @!p0 $0x0  }
0x6d: {  	[sflag:s0] =	ssyncadd.s32 @!p0 s1  }
0x6e: {  	[bflag:$0x3] =	sbarrier.arrive $0xFFFF  }
0x6f: {  	_ =	shalt  }

</sc_bundles>
